<compile_context>
chip_gen: v7x
topology: tpu7x:2x2x1
jax: 0.10.2.dev20260603
libtpu: 0.0.44.dev20260713+nightly
codegen_flags: <defaults>
</compile_context>

<pallas_src>
import functools

import jax
import jax.numpy as jnp
from jax import lax
from jax.experimental import pallas as pl
from jax.experimental.pallas import tpu as pltpu
from jax.experimental.pallas import tpu_sc as plsc

_B, _D, _T = 16384, 1024, 1000

_NC, _NS = 2, 16
_NW = _NC * _NS
_GCHUNK = 128

_BLK = 512
_CHUNKS = 4

_sc_mesh = plsc.VectorSubcoreMesh(core_axis_name="c", subcore_axis_name="s")


@functools.lru_cache
def _make_sc_gather(n, offset):
    bpw = n // _NW

    @functools.partial(
        pl.kernel,
        mesh=_sc_mesh,
        out_type=jax.ShapeDtypeStruct((n,), jnp.float32),
        scratch_types=[
            pltpu.VMEM_SHARED((1024,), jnp.float32),
            pltpu.VMEM((1024,), jnp.float32),
            pltpu.VMEM((bpw,), jnp.int32),
            pltpu.VMEM((bpw,), jnp.float32),
            pltpu.SemaphoreType.DMA,
        ],
    )
    def _sc_gather(table_hbm, idx_hbm, out_hbm, table_s, table_v, idx_v,
                   vals_v, sem):
        sid = lax.axis_index("s")
        wid = sid * _NC + lax.axis_index("c")
        base = wid * bpw
        @pl.when(sid == 0)
        def _():
            pltpu.sync_copy(table_hbm, table_v.at[pl.ds(0, _T)])
            pltpu.sync_copy(table_v, table_s)
        pltpu.sync_copy(idx_hbm.at[pl.ds(offset + base, bpw)], idx_v)
        plsc.subcore_barrier()
        copies = []
        for j in range(bpw // _GCHUNK):
            copies.append(pltpu.async_copy(
                table_s.at[idx_v.at[pl.ds(j * _GCHUNK, _GCHUNK)]],
                vals_v.at[pl.ds(j * _GCHUNK, _GCHUNK)],
                sem,
            ))
        for c in copies:
            c.wait()
        pltpu.sync_copy(vals_v, out_hbm.at[pl.ds(base, bpw)])

    return _sc_gather


def _mix_body(ac_ref, x_ref, n_ref, o_ref):
    a = jnp.transpose(ac_ref[0], (1, 0))
    sa = jnp.sqrt(a)
    sb = jnp.sqrt(1.0 - a)
    o_ref[...] = sa * x_ref[...] + sb * n_ref[...]


def _mix_body_alias(ac_ref, x_ref, n_ref, prev_ref, o_ref):
    del prev_ref
    _mix_body(ac_ref, x_ref, n_ref, o_ref)


def _mix_chunk(ac3, x, n, prev, c, bc):
    nb = bc // _BLK
    row0 = c * nb
    big = pl.BlockSpec((_BLK, _D), lambda i: (row0 + i, 0))
    specs = [pl.BlockSpec((1, 1, _BLK), lambda i: (i, 0, 0)), big, big]
    args = (ac3, x, n)
    body = _mix_body
    aliases = {}
    if prev is not None:
        specs.append(pl.BlockSpec(memory_space=pl.ANY))
        args = args + (prev,)
        body = _mix_body_alias
        aliases = {3: 0}
    return pl.pallas_call(
        body,
        grid=(nb,),
        in_specs=specs,
        out_specs=big,
        out_shape=jax.ShapeDtypeStruct((_B, _D), jnp.float32),
        input_output_aliases=aliases,
    )(*args)


def kernel(x_start, t, noise, betas, alphas_cumprod):
    ac_t = _make_sc_gather(_B, 0)(alphas_cumprod, t)
    return _mix_chunk(ac_t.reshape(_B // _BLK, 1, _BLK),
                      x_start, noise, None, 0, _B)

# --- scband reference (transcript-rebuilt; emitter-appended) ---
"""Pipeline reference for scband-gaussian-diffusion-70703751626921 (READ-ONLY COPY).

The authoritative reference and input builder live on the scoring server;
editing this copy changes nothing except your own understanding.
"""

import jax, jax.numpy as jnp
import numpy as np

B, D, T = 16384, 1024, 1000
BETA_START, BETA_END = 1e-4, 0.02


def setup_inputs(seed: int = 0) -> dict:
    key = jax.random.key(seed)
    k1, k2, k3 = jax.random.split(key, 3)
    x_start = jax.random.normal(k1, (B, D), dtype=jnp.float32)
    noise = jax.random.normal(k2, (B, D), dtype=jnp.float32)
    t = jax.random.randint(k3, (B,), 0, T, dtype=jnp.int32)
    betas = jnp.linspace(BETA_START, BETA_END, T, dtype=jnp.float32)
    alphas = 1.0 - betas
    alphas_cumprod = jnp.cumprod(alphas, axis=0)
    return {"x_start": x_start, "t": t, "noise": noise, "betas": betas, "alphas_cumprod": alphas_cumprod}


def reference(x_start, t, noise, betas, alphas_cumprod):
    # q_sample: gather alpha_bar_t from the cumprod table (embedding-style lookup),
    # broadcast over the feature dim, then elementwise mix of signal and noise.
    alpha_bar_t = jnp.take(alphas_cumprod, t, axis=0).reshape(-1, 1)
    sqrt_alpha_bar_t = jnp.sqrt(alpha_bar_t)
    sqrt_one_minus_alpha_bar_t = jnp.sqrt(1.0 - alpha_bar_t)
    return sqrt_alpha_bar_t * x_start + sqrt_one_minus_alpha_bar_t * noise

if __name__ == "__main__":
    import jax
    _d = setup_inputs()
    print(jax.jit(kernel)(*tuple(_d.values())))

</pallas_src>

<mosaic_0001>
#map = affine_map<(d0, d1) -> (0)>
module attributes {stable_mosaic.version = 14 : i64} {
  func.func @_sc_gather(%arg0: i32, %arg1: i32, %arg2: memref<1000xf32, #tpu.memory_space<hbm>>, %arg3: memref<16384xi32, #tpu.memory_space<hbm>>, %arg4: memref<16384xf32, #tpu.memory_space<hbm>>, %arg5: memref<1024xf32, #tpu.memory_space<vmem_shared>>, %arg6: memref<1024xf32, #tpu.memory_space<vmem>>, %arg7: memref<512xi32, #tpu.memory_space<vmem>>, %arg8: memref<512xf32, #tpu.memory_space<vmem>>, %arg9: memref<!tpu.dma_semaphore, #tpu.memory_space<semaphore_mem>>) attributes {dimension_semantics = [#tpu.dimension_semantics<core_parallel>, #tpu.dimension_semantics<subcore_parallel>], iteration_bounds = array<i64: 2, 16>, scalar_prefetch = 0 : i64, scratch_operands = 5 : i64, tpu.core_type = #tpu.core_type<sc_vector_subcore>, window_params = [{transform_indices = #map}, {transform_indices = #map}, {transform_indices = #map}]} {
    %mul3A = arith.constant 2 : i32
    %mul3A_0 = arith.muli %arg1, %mul3A : i32
    %add3A = arith.addi %mul3A_0, %arg0 : i32
    %mul3A_1 = arith.constant 512 : i32
    %mul3A_2 = arith.muli %add3A, %mul3A_1 : i32
    %eq3A = arith.constant 0 : i32
    %eq3A_3 = arith.cmpi eq, %arg1, %eq3A : i32
    %convert_element_type3A = arith.extui %eq3A_3 : i1 to i32
    %cond3A = arith.constant 0 : i32
    %cond3A_4 = arith.cmpi ne, %convert_element_type3A, %cond3A : i32
    scf.if %cond3A_4 {
      "tpu.region"() ({
        %run_scoped3A = tpu.sem_alloc : memref<!tpu.dma_semaphore, #tpu.memory_space<semaphore_mem>>
        %dma_start3A_53 = arith.constant 0 : i32
        %dma_start3A_54 = tpu.memref_slice %arg6[%dma_start3A_53] : memref<1024xf32, #tpu.memory_space<vmem>> -> memref<1000xf32, #tpu.memory_space<vmem>>
        %dma_start3A_55 = arith.constant 0 : i32
        %dma_start3A_56 = tpu.memref_slice %arg6[%dma_start3A_55] : memref<1024xf32, #tpu.memory_space<vmem>> -> memref<1000xf32, #tpu.memory_space<vmem>>
        tpu.enqueue_dma source(%arg2 : memref<1000xf32, #tpu.memory_space<hbm>>) target(%dma_start3A_56 : memref<1000xf32, #tpu.memory_space<vmem>>) target_semaphore(%run_scoped3A : memref<!tpu.dma_semaphore, #tpu.memory_space<semaphore_mem>>)
        %dma_wait3A_57 = arith.constant 0 : i32
        %dma_wait3A_58 = tpu.memref_slice %arg6[%dma_wait3A_57] : memref<1024xf32, #tpu.memory_space<vmem>> -> memref<1000xf32, #tpu.memory_space<vmem>>
        %dma_wait3A_59 = arith.constant 0 : i32
        %dma_wait3A_60 = tpu.memref_slice %arg6[%dma_wait3A_59] : memref<1024xf32, #tpu.memory_space<vmem>> -> memref<1000xf32, #tpu.memory_space<vmem>>
        tpu.wait_dma2 semaphore(%run_scoped3A : memref<!tpu.dma_semaphore, #tpu.memory_space<semaphore_mem>>) src(%arg2 : memref<1000xf32, #tpu.memory_space<hbm>>) dst(%dma_wait3A_60 : memref<1000xf32, #tpu.memory_space<vmem>>)
        tpu.yield
      }) : () -> ()
      "tpu.region"() ({
        %run_scoped3A = tpu.sem_alloc : memref<!tpu.dma_semaphore, #tpu.memory_space<semaphore_mem>>
        tpu.enqueue_dma source(%arg6 : memref<1024xf32, #tpu.memory_space<vmem>>) target(%arg5 : memref<1024xf32, #tpu.memory_space<vmem_shared>>) target_semaphore(%run_scoped3A : memref<!tpu.dma_semaphore, #tpu.memory_space<semaphore_mem>>)
        tpu.wait_dma2 semaphore(%run_scoped3A : memref<!tpu.dma_semaphore, #tpu.memory_space<semaphore_mem>>) src(%arg6 : memref<1024xf32, #tpu.memory_space<vmem>>) dst(%arg5 : memref<1024xf32, #tpu.memory_space<vmem_shared>>)
        tpu.yield
      }) : () -> ()
    } else {
    }
    %add3A_5 = arith.constant 0 : i32
    %add3A_6 = arith.addi %add3A_5, %mul3A_2 : i32
    "tpu.region"() ({
      %run_scoped3A = tpu.sem_alloc : memref<!tpu.dma_semaphore, #tpu.memory_space<semaphore_mem>>
      %dma_start3A_53 = tpu.memref_slice %arg3[%add3A_6] : memref<16384xi32, #tpu.memory_space<hbm>> -> memref<512xi32, #tpu.memory_space<hbm>>
      %dma_start3A_54 = tpu.memref_slice %arg3[%add3A_6] : memref<16384xi32, #tpu.memory_space<hbm>> -> memref<512xi32, #tpu.memory_space<hbm>>
      tpu.enqueue_dma source(%dma_start3A_54 : memref<512xi32, #tpu.memory_space<hbm>>) target(%arg7 : memref<512xi32, #tpu.memory_space<vmem>>) target_semaphore(%run_scoped3A : memref<!tpu.dma_semaphore, #tpu.memory_space<semaphore_mem>>)
      %dma_wait3A_55 = tpu.memref_slice %arg3[%add3A_6] : memref<16384xi32, #tpu.memory_space<hbm>> -> memref<512xi32, #tpu.memory_space<hbm>>
      %dma_wait3A_56 = tpu.memref_slice %arg3[%add3A_6] : memref<16384xi32, #tpu.memory_space<hbm>> -> memref<512xi32, #tpu.memory_space<hbm>>
      tpu.wait_dma2 semaphore(%run_scoped3A : memref<!tpu.dma_semaphore, #tpu.memory_space<semaphore_mem>>) src(%dma_wait3A_56 : memref<512xi32, #tpu.memory_space<hbm>>) dst(%arg7 : memref<512xi32, #tpu.memory_space<vmem>>)
      tpu.yield
    }) : () -> ()
    %barrier3A = arith.constant 0 : index
    tpu.barrier barrier_id(%barrier3A)
    %dma_start3A = arith.constant 0 : i32
    %dma_start3A_7 = tpu.memref_slice %arg8[%dma_start3A] : memref<512xf32, #tpu.memory_space<vmem>> -> memref<128xf32, #tpu.memory_space<vmem>>
    %dma_start3A_8 = arith.constant 0 : i32
    %dma_start3A_9 = tpu.memref_slice %arg7[%dma_start3A_8] : memref<512xi32, #tpu.memory_space<vmem>> -> memref<128xi32, #tpu.memory_space<vmem>>
    %dma_start3A_10 = arith.constant 0 : i32
    %dma_start3A_11 = tpu.memref_slice %arg5[%dma_start3A_10] : memref<1024xf32, #tpu.memory_space<vmem_shared>> -> memref<1024xf32, #tpu.memory_space<vmem_shared>>
    tpu.enqueue_indirect_dma source(%dma_start3A_11 : memref<1024xf32, #tpu.memory_space<vmem_shared>>) target(%dma_start3A_7 : memref<128xf32, #tpu.memory_space<vmem>>) offsets(%dma_start3A_9 : memref<128xi32, #tpu.memory_space<vmem>>) semaphore(%arg9 : memref<!tpu.dma_semaphore, #tpu.memory_space<semaphore_mem>>)
    %dma_start3A_12 = arith.constant 128 : i32
    %dma_start3A_13 = tpu.memref_slice %arg8[%dma_start3A_12] : memref<512xf32, #tpu.memory_space<vmem>> -> memref<128xf32, #tpu.memory_space<vmem>>
    %dma_start3A_14 = arith.constant 128 : i32
    %dma_start3A_15 = tpu.memref_slice %arg7[%dma_start3A_14] : memref<512xi32, #tpu.memory_space<vmem>> -> memref<128xi32, #tpu.memory_space<vmem>>
    %dma_start3A_16 = arith.constant 0 : i32
    %dma_start3A_17 = tpu.memref_slice %arg5[%dma_start3A_16] : memref<1024xf32, #tpu.memory_space<vmem_shared>> -> memref<1024xf32, #tpu.memory_space<vmem_shared>>
    tpu.enqueue_indirect_dma source(%dma_start3A_17 : memref<1024xf32, #tpu.memory_space<vmem_shared>>) target(%dma_start3A_13 : memref<128xf32, #tpu.memory_space<vmem>>) offsets(%dma_start3A_15 : memref<128xi32, #tpu.memory_space<vmem>>) semaphore(%arg9 : memref<!tpu.dma_semaphore, #tpu.memory_space<semaphore_mem>>)
    %dma_start3A_18 = arith.constant 256 : i32
    %dma_start3A_19 = tpu.memref_slice %arg8[%dma_start3A_18] : memref<512xf32, #tpu.memory_space<vmem>> -> memref<128xf32, #tpu.memory_space<vmem>>
    %dma_start3A_20 = arith.constant 256 : i32
    %dma_start3A_21 = tpu.memref_slice %arg7[%dma_start3A_20] : memref<512xi32, #tpu.memory_space<vmem>> -> memref<128xi32, #tpu.memory_space<vmem>>
    %dma_start3A_22 = arith.constant 0 : i32
    %dma_start3A_23 = tpu.memref_slice %arg5[%dma_start3A_22] : memref<1024xf32, #tpu.memory_space<vmem_shared>> -> memref<1024xf32, #tpu.memory_space<vmem_shared>>
    tpu.enqueue_indirect_dma source(%dma_start3A_23 : memref<1024xf32, #tpu.memory_space<vmem_shared>>) target(%dma_start3A_19 : memref<128xf32, #tpu.memory_space<vmem>>) offsets(%dma_start3A_21 : memref<128xi32, #tpu.memory_space<vmem>>) semaphore(%arg9 : memref<!tpu.dma_semaphore, #tpu.memory_space<semaphore_mem>>)
    %dma_start3A_24 = arith.constant 384 : i32
    %dma_start3A_25 = tpu.memref_slice %arg8[%dma_start3A_24] : memref<512xf32, #tpu.memory_space<vmem>> -> memref<128xf32, #tpu.memory_space<vmem>>
    %dma_start3A_26 = arith.constant 384 : i32
    %dma_start3A_27 = tpu.memref_slice %arg7[%dma_start3A_26] : memref<512xi32, #tpu.memory_space<vmem>> -> memref<128xi32, #tpu.memory_space<vmem>>
    %dma_start3A_28 = arith.constant 0 : i32
    %dma_start3A_29 = tpu.memref_slice %arg5[%dma_start3A_28] : memref<1024xf32, #tpu.memory_space<vmem_shared>> -> memref<1024xf32, #tpu.memory_space<vmem_shared>>
    tpu.enqueue_indirect_dma source(%dma_start3A_29 : memref<1024xf32, #tpu.memory_space<vmem_shared>>) target(%dma_start3A_25 : memref<128xf32, #tpu.memory_space<vmem>>) offsets(%dma_start3A_27 : memref<128xi32, #tpu.memory_space<vmem>>) semaphore(%arg9 : memref<!tpu.dma_semaphore, #tpu.memory_space<semaphore_mem>>)
    %dma_wait3A = arith.constant 0 : i32
    %dma_wait3A_30 = tpu.memref_slice %arg8[%dma_wait3A] : memref<512xf32, #tpu.memory_space<vmem>> -> memref<128xf32, #tpu.memory_space<vmem>>
    %dma_wait3A_31 = arith.constant 0 : i32
    %dma_wait3A_32 = tpu.memref_slice %arg7[%dma_wait3A_31] : memref<512xi32, #tpu.memory_space<vmem>> -> memref<128xi32, #tpu.memory_space<vmem>>
    %dma_wait3A_33 = arith.constant 0 : i32
    %dma_wait3A_34 = tpu.memref_slice %arg5[%dma_wait3A_33] : memref<1024xf32, #tpu.memory_space<vmem_shared>> -> memref<1024xf32, #tpu.memory_space<vmem_shared>>
    tpu.wait_indirect_dma semaphore(%arg9 : memref<!tpu.dma_semaphore, #tpu.memory_space<semaphore_mem>>) src(%dma_wait3A_34 : memref<1024xf32, #tpu.memory_space<vmem_shared>>) dst(%dma_wait3A_30 : memref<128xf32, #tpu.memory_space<vmem>>)
    %dma_wait3A_35 = arith.constant 128 : i32
    %dma_wait3A_36 = tpu.memref_slice %arg8[%dma_wait3A_35] : memref<512xf32, #tpu.memory_space<vmem>> -> memref<128xf32, #tpu.memory_space<vmem>>
    %dma_wait3A_37 = arith.constant 128 : i32
    %dma_wait3A_38 = tpu.memref_slice %arg7[%dma_wait3A_37] : memref<512xi32, #tpu.memory_space<vmem>> -> memref<128xi32, #tpu.memory_space<vmem>>
    %dma_wait3A_39 = arith.constant 0 : i32
    %dma_wait3A_40 = tpu.memref_slice %arg5[%dma_wait3A_39] : memref<1024xf32, #tpu.memory_space<vmem_shared>> -> memref<1024xf32, #tpu.memory_space<vmem_shared>>
    tpu.wait_indirect_dma semaphore(%arg9 : memref<!tpu.dma_semaphore, #tpu.memory_space<semaphore_mem>>) src(%dma_wait3A_40 : memref<1024xf32, #tpu.memory_space<vmem_shared>>) dst(%dma_wait3A_36 : memref<128xf32, #tpu.memory_space<vmem>>)
    %dma_wait3A_41 = arith.constant 256 : i32
    %dma_wait3A_42 = tpu.memref_slice %arg8[%dma_wait3A_41] : memref<512xf32, #tpu.memory_space<vmem>> -> memref<128xf32, #tpu.memory_space<vmem>>
    %dma_wait3A_43 = arith.constant 256 : i32
    %dma_wait3A_44 = tpu.memref_slice %arg7[%dma_wait3A_43] : memref<512xi32, #tpu.memory_space<vmem>> -> memref<128xi32, #tpu.memory_space<vmem>>
    %dma_wait3A_45 = arith.constant 0 : i32
    %dma_wait3A_46 = tpu.memref_slice %arg5[%dma_wait3A_45] : memref<1024xf32, #tpu.memory_space<vmem_shared>> -> memref<1024xf32, #tpu.memory_space<vmem_shared>>
    tpu.wait_indirect_dma semaphore(%arg9 : memref<!tpu.dma_semaphore, #tpu.memory_space<semaphore_mem>>) src(%dma_wait3A_46 : memref<1024xf32, #tpu.memory_space<vmem_shared>>) dst(%dma_wait3A_42 : memref<128xf32, #tpu.memory_space<vmem>>)
    %dma_wait3A_47 = arith.constant 384 : i32
    %dma_wait3A_48 = tpu.memref_slice %arg8[%dma_wait3A_47] : memref<512xf32, #tpu.memory_space<vmem>> -> memref<128xf32, #tpu.memory_space<vmem>>
    %dma_wait3A_49 = arith.constant 384 : i32
    %dma_wait3A_50 = tpu.memref_slice %arg7[%dma_wait3A_49] : memref<512xi32, #tpu.memory_space<vmem>> -> memref<128xi32, #tpu.memory_space<vmem>>
    %dma_wait3A_51 = arith.constant 0 : i32
    %dma_wait3A_52 = tpu.memref_slice %arg5[%dma_wait3A_51] : memref<1024xf32, #tpu.memory_space<vmem_shared>> -> memref<1024xf32, #tpu.memory_space<vmem_shared>>
    tpu.wait_indirect_dma semaphore(%arg9 : memref<!tpu.dma_semaphore, #tpu.memory_space<semaphore_mem>>) src(%dma_wait3A_52 : memref<1024xf32, #tpu.memory_space<vmem_shared>>) dst(%dma_wait3A_48 : memref<128xf32, #tpu.memory_space<vmem>>)
    "tpu.region"() ({
      %run_scoped3A = tpu.sem_alloc : memref<!tpu.dma_semaphore, #tpu.memory_space<semaphore_mem>>
      %dma_start3A_53 = tpu.memref_slice %arg4[%mul3A_2] : memref<16384xf32, #tpu.memory_space<hbm>> -> memref<512xf32, #tpu.memory_space<hbm>>
      %dma_start3A_54 = tpu.memref_slice %arg4[%mul3A_2] : memref<16384xf32, #tpu.memory_space<hbm>> -> memref<512xf32, #tpu.memory_space<hbm>>
      tpu.enqueue_dma source(%arg8 : memref<512xf32, #tpu.memory_space<vmem>>) target(%dma_start3A_54 : memref<512xf32, #tpu.memory_space<hbm>>) target_semaphore(%run_scoped3A : memref<!tpu.dma_semaphore, #tpu.memory_space<semaphore_mem>>)
      %dma_wait3A_55 = tpu.memref_slice %arg4[%mul3A_2] : memref<16384xf32, #tpu.memory_space<hbm>> -> memref<512xf32, #tpu.memory_space<hbm>>
      %dma_wait3A_56 = tpu.memref_slice %arg4[%mul3A_2] : memref<16384xf32, #tpu.memory_space<hbm>> -> memref<512xf32, #tpu.memory_space<hbm>>
      tpu.wait_dma2 semaphore(%run_scoped3A : memref<!tpu.dma_semaphore, #tpu.memory_space<semaphore_mem>>) src(%arg8 : memref<512xf32, #tpu.memory_space<vmem>>) dst(%dma_wait3A_56 : memref<512xf32, #tpu.memory_space<hbm>>)
      tpu.yield
    }) : () -> ()
    return
  }
}

module attributes {stable_mosaic.version = 14 : i64} {
  func.func @_mix_body(%arg0: i32, %arg1: memref<1x1x512xf32, #tpu.memory_space<vmem>>, %arg2: memref<512x1024xf32, #tpu.memory_space<vmem>>, %arg3: memref<512x1024xf32, #tpu.memory_space<vmem>>, %arg4: memref<512x1024xf32, #tpu.memory_space<vmem>>) attributes {dimension_semantics = [#tpu.dimension_semantics<arbitrary>], iteration_bounds = array<i64: 32>, scalar_prefetch = 0 : i64, scratch_operands = 0 : i64, tpu.core_type = #tpu.core_type<tc>, window_params = [{transform_indices = @transform_0, window_bounds = array<i64: 1, 1, 512>}, {transform_indices = @transform_1, window_bounds = array<i64: 512, 1024>}, {transform_indices = @transform_2, window_bounds = array<i64: 512, 1024>}, {transform_indices = @transform_3, window_bounds = array<i64: 512, 1024>}]} {
    %get3A = arith.constant 0 : index
    %get3A_0 = arith.constant 0 : index
    %get3A_1 = arith.constant 0 : index
    %get3A_2 = vector.load %arg1[%get3A, %get3A_0, %get3A_1] : memref<1x1x512xf32, #tpu.memory_space<vmem>>, vector<1x1x512xf32>
    %get3A_3 = vector.shape_cast %get3A_2 : vector<1x1x512xf32> to vector<1x512xf32>
    %transpose3A = tpu.transpose %get3A_3, [1, 0] : vector<1x512xf32> -> vector<512x1xf32>
    %sqrt3A = math.sqrt %transpose3A : vector<512x1xf32>
    %sub3A = arith.constant 1.000000e+00 : f32
    %sub3A_4 = vector.broadcast %sub3A : f32 to vector<512x1xf32>
    %sub3A_5 = arith.subf %sub3A_4, %transpose3A : vector<512x1xf32>
    %sqrt3A_6 = math.sqrt %sub3A_5 : vector<512x1xf32>
    %get3A_7 = arith.constant 0 : index
    %get3A_8 = arith.constant 0 : index
    %get3A_9 = vector.load %arg2[%get3A_7, %get3A_8] : memref<512x1024xf32, #tpu.memory_space<vmem>>, vector<512x1024xf32>
    %mul3A = vector.broadcast %sqrt3A : vector<512x1xf32> to vector<512x1024xf32>
    %mul3A_10 = arith.mulf %mul3A, %get3A_9 : vector<512x1024xf32>
    %get3A_11 = arith.constant 0 : index
    %get3A_12 = arith.constant 0 : index
    %get3A_13 = vector.load %arg3[%get3A_11, %get3A_12] : memref<512x1024xf32, #tpu.memory_space<vmem>>, vector<512x1024xf32>
    %mul3A_14 = vector.broadcast %sqrt3A_6 : vector<512x1xf32> to vector<512x1024xf32>
    %mul3A_15 = arith.mulf %mul3A_14, %get3A_13 : vector<512x1024xf32>
    %add3A = arith.addf %mul3A_10, %mul3A_15 : vector<512x1024xf32>
    %swap3A = arith.constant 0 : index
    %swap3A_16 = arith.constant 0 : index
    %swap3A_17 = vector.load %arg4[%swap3A, %swap3A_16] : memref<512x1024xf32, #tpu.memory_space<vmem>>, vector<512x1024xf32>
    tpu.vector_store %arg4[%swap3A, %swap3A_16], %add3A {strides = array<i32>} : memref<512x1024xf32, #tpu.memory_space<vmem>>, vector<512x1024xf32>,
    return
  }
  func.func @transform_0(%arg0: i32) -> (i32, i32, i32) {
    %c0_i32 = arith.constant 0 : i32
    %c0_i32_0 = arith.constant 0 : i32
    %c0_i32_1 = arith.constant 0 : i32
    return %arg0, %c0_i32, %c0_i32_0 : i32, i32, i32
  }
  func.func @transform_1(%arg0: i32) -> (i32, i32) {
    %add3A = arith.constant 0 : i32
    %add3A_0 = arith.addi %add3A, %arg0 : i32
    %c0_i32 = arith.constant 0 : i32
    %c0_i32_1 = arith.constant 0 : i32
    return %add3A_0, %c0_i32 : i32, i32
  }
  func.func @transform_2(%arg0: i32) -> (i32, i32) {
    %add3A = arith.constant 0 : i32
    %add3A_0 = arith.addi %add3A, %arg0 : i32
    %c0_i32 = arith.constant 0 : i32
    %c0_i32_1 = arith.constant 0 : i32
    return %add3A_0, %c0_i32 : i32, i32
  }
  func.func @transform_3(%arg0: i32) -> (i32, i32) {
    %add3A = arith.constant 0 : i32
    %add3A_0 = arith.addi %add3A, %arg0 : i32
    %c0_i32 = arith.constant 0 : i32
    %c0_i32_1 = arith.constant 0 : i32
    return %add3A_0, %c0_i32 : i32, i32
  }
}

</mosaic_0001>

<sc_bundles>
// kernel: kernel.4.cloned.1.call-start
scs
__scs_entry_jumppad:
0x0: {  	(pc) =	sbr.rel $0x88, $3  }
0x1: {  	(tag) =	ssettag $0x0;
	lr =	simm.s32 $0x1  }
0x2: {  	[smem:$0x3F9D] =	sst lr;
	_ =	strace $0xD0000000  }
0x3: {  	_ = 	snop  }
0x4: {  	_ = 	snop  }
0x5: {  	_ = 	snop  }
0x6: {  	_ = 	snop  }
0x7: {  	_ = 	snop  }
__scs_overlays_trampoline_lowered:
0x8: {  	[smem:$0x3FAC] =	sst s0  }
0x9: {  	[smem:$0x3FAD] =	sst s1  }
0xa: {  	[smem:$0x3FAE] =	sst s2  }
0xb: {  	[smem:$0x3FAF] =	sst s3  }
0xc: {  	[smem:$0x3FB0] =	sst s4  }
0xd: {  	[smem:$0x3FB1] =	sst s5  }
0xe: {  	[smem:$0x3FB2] =	sst s6  }
0xf: {  	[smem:$0x3FB3] =	sst s7  }
0x10: {  	[smem:$0x3FB4] =	sst s8  }
0x11: {  	[smem:$0x3FB5] =	sst s9;
	s0 =	simm.s32 @!p0 $0x0  }
0x12: {  	s1 =	sld [smem:$0x3F9B];
	s0 =	simm.s32 @p0 $0x1  }
0x13: {  	[smem:$0x3FB6] =	sst s0;
	s0 =	simm.s32 @!p1 $0x0  }
0x14: {  	s2 =	sld [smem:$0x3F9A];
	s0 =	simm.s32 @p1 $0x1  }
0x15: {  	[smem:$0x3FB7] =	sst s0;
	s0 =	simm.s32 @!p2 $0x0  }
0x16: {  	s3 =	sld [smem:$0x3FDB];
	s0 =	simm.s32 @p2 $0x1  }
0x17: {  	s4 =	simm.s32 $0x1BF5;
	[smem:$0x3FB9] =	sst s0  }
0x18: {  	s0 =	sld [smem:$0x3F9C];
	_ =	swait.ge [sflag:s4], $0x0  }
0x19: {  	s7 =	sld [smem:$0x3F9D]  }
0x1a: {  	s8 =	sadd.s32 $0xFFFFE003, lr  }
0x1b: {  	s9 =	sadd.s32 $0xFFFFFEF7, lr;
	s5 =	simm.s32 $0xFFFFFFFF;
	p2 =	slt.u32 s8, $0xFFFFF086  }
0x1c: {  	p1 =	slt.u32 s9, $0xF7A;
	s5 =	simm.s32 @!p2 $0x0  }
0x1d: {  	s5 =	simm.s32 @p1 $0x1;
	p0 =	seq.s32 s7, s2  }
0x1e: {  	s7 =	smul.u32 @!p0 $0xF7A, s2;
	p2 =	seq.s32 @!p0 s5, $0x0  }
0x1f: {  	s9 =	smul.u32 $0xF7A, s1;
	s8 =	simm.s32 @!p0 $0x1BF5;
	p2 =	por !p2, p0  }
0x20: {  	[sflag:s8] =	ssyncset.s32 @!p0 $0xFFFFF086;
	s6 =	sadd.s32 @!p0 s3, s7;
	s7 =	simm.s32 @!p0 $0x108  }
0x21: {  	s3 =	sadd.s32 s3, s9;
	s6 =	sadd.s32 @!p0 $0x88, s6;
	s7 =	simm.s32 @p2 $0x1082  }
0x22: {  	[simem:s7], [sflag:s8] =	dma.local @!p0 [hbm:s6], $0xF7A  }
0x23: {  	s9 =	sor.u32 $0xD0000000, s2;
	s6 =	simm.s32 $0x108;
	_ =	swait.ge @!p0 [sflag:s8], $0x0  }
0x24: {  	s3 =	sadd.s32 $0x88, s3;
	s6 =	simm.s32 @!p1 $0x1082;
	[sflag:s4] =	ssyncset.s32 $0xFFFFF086  }
0x25: {  	[simem:s6], [sflag:s4] =	dma.local [hbm:s3], $0xF7A  }
0x26: {  	[smem:$0x3F9D] =	sst s1;
	(tag) =	ssettag s2;
	_ =	strace s9  }
0x27: {  	s1 =	sld [smem:$0x3FAD]  }
0x28: {  	s2 =	sld [smem:$0x3FAE]  }
0x29: {  	s4 =	sld [smem:$0x3FB0]  }
0x2a: {  	p0 =	seq.s32 s5, $0x0;
	s5 =	sld [smem:$0x3FB1]  }
0x2b: {  	s6 =	sld [smem:$0x3FB2]  }
0x2c: {  	s7 =	sld [smem:$0x3FB3]  }
0x2d: {  	s3 =	simm.s32 $0x108;
	s8 =	sld [smem:$0x3FB4]  }
0x2e: {  	s3 =	simm.s32 @!p0 $0x1082;
	s9 =	sld [smem:$0x3FB5]  }
0x2f: {  	lr =	sadd.s32 s0, s3;
	s0 =	sld [smem:$0x3FAC]  }
0x30: {  	s3 =	sld [smem:$0x3FAF]  }
0x31: {  	[smem:$0x3FB8] =	sst s10  }
0x32: {  	s10 =	sld [smem:$0x3FB6];
	_ =	sdelay $0x3  }
0x33: {  	p0 =	seq.s32 s10, $0x1;
	s10 =	sld [smem:$0x3FB8];
	_ =	sdelay $0x3  }
0x34: {  	[smem:$0x3FB8] =	sst s10  }
0x35: {  	s10 =	sld [smem:$0x3FB7];
	_ =	sdelay $0x3  }
0x36: {  	p1 =	seq.s32 s10, $0x1;
	s10 =	sld [smem:$0x3FB8];
	_ =	sdelay $0x3  }
0x37: {  	[smem:$0x3FB8] =	sst s10  }
0x38: {  	s10 =	sld [smem:$0x3FB9]  }
0x39: {  	_ = 	snop;
	(pc) =	sbr.ind lr, $3  }
0x3a: {  	_ = 	snop  }
0x3b: {  	_ = 	snop  }
0x3c: {  	p2 =	seq.s32 s10, $0x1;
	s10 =	sld [smem:$0x3FB8]  }
0x3d: {  	_ =	shalt  }
0x3e: {  	_ =	shalt  }
0x3f: {  	_ =	shalt  }
0x40: {  	_ =	shalt  }
0x41: {  	_ =	shalt  }
0x42: {  	_ =	shalt  }
0x43: {  	_ =	shalt  }
0x44: {  	_ =	shalt  }
0x45: {  	_ =	shalt  }
0x46: {  	_ =	shalt  }
0x47: {  	_ =	shalt  }
0x48: {  	_ =	shalt  }
0x49: {  	_ =	shalt  }
0x4a: {  	_ =	shalt  }
0x4b: {  	_ =	shalt  }
0x4c: {  	_ =	shalt  }
0x4d: {  	_ =	shalt  }
0x4e: {  	_ =	shalt  }
0x4f: {  	_ =	shalt  }
0x50: {  	_ =	shalt  }
0x51: {  	_ =	shalt  }
0x52: {  	_ =	shalt  }
0x53: {  	_ =	shalt  }
0x54: {  	_ =	shalt  }
0x55: {  	_ =	shalt  }
0x56: {  	_ =	shalt  }
0x57: {  	_ =	shalt  }
0x58: {  	_ =	shalt  }
0x59: {  	_ =	shalt  }
0x5a: {  	_ =	shalt  }
0x5b: {  	_ =	shalt  }
0x5c: {  	_ =	shalt  }
0x5d: {  	_ =	shalt  }
0x5e: {  	_ =	shalt  }
0x5f: {  	_ =	shalt  }
0x60: {  	_ =	shalt  }
0x61: {  	_ =	shalt  }
0x62: {  	_ =	shalt  }
0x63: {  	_ =	shalt  }
0x64: {  	_ =	shalt  }
0x65: {  	_ =	shalt  }
0x66: {  	_ =	shalt  }
0x67: {  	_ =	shalt  }
0x68: {  	_ =	shalt  }
0x69: {  	_ =	shalt  }
0x6a: {  	_ =	shalt  }
0x6b: {  	_ =	shalt  }
0x6c: {  	_ =	shalt  }
0x6d: {  	_ =	shalt  }
0x6e: {  	_ =	shalt  }
0x6f: {  	_ =	shalt  }
0x70: {  	_ =	shalt  }
0x71: {  	_ =	shalt  }
0x72: {  	_ =	shalt  }
0x73: {  	_ =	shalt  }
0x74: {  	_ =	shalt  }
0x75: {  	_ =	shalt  }
0x76: {  	_ =	shalt  }
0x77: {  	_ =	shalt  }
0x78: {  	_ =	shalt  }
0x79: {  	_ =	shalt  }
0x7a: {  	_ =	shalt  }
0x7b: {  	_ =	shalt  }
0x7c: {  	_ =	shalt  }
0x7d: {  	_ =	shalt  }
0x7e: {  	_ =	shalt  }
0x7f: {  	_ =	shalt  }
0x80: {  	_ =	shalt  }
0x81: {  	_ =	shalt  }
0x82: {  	_ =	shalt  }
0x83: {  	_ =	shalt  }
0x84: {  	_ =	shalt  }
0x85: {  	_ =	shalt  }
0x86: {  	_ =	shalt  }
0x87: {  	_ =	shalt  }
.Lfunc_end0:
.L_simem_size_0:
called_computation_lowered:
.L_overlay_start_0:
0x88: {  	s2 =	sld [smem:$0x3FD9]  }
0x89: {  	s3 =	sld [smem:$0x3FFE];
	_ =	sdelay $0x1  }
0x8a: {  	s1 =	srdreg.scid  }
0x8b: {  	s0 =	sand.u32 $0x1, s1  }
0x8c: {  	s18 =	sshll.u32 s0, $0xA;
	s2 =	sadd.s32 s3, s2  }
0x8d: {  	s2 =	sadd.s32 s2, s18  }
0x8e: {  	[smem:$0x3FC4] =	sst s2  }
0x8f: {  	_ = 	snop  }
0x90: {  	s2 =	sld [smem:$0x3FC8]  }
0x91: {  	s19 =	sld [smem:$0x3FC6]  }
0x92: {  	s4 =	sld [smem:$0x3FD0];
	(tm) =	ssettm $0x1  }
0x93: {  	s5 =	sld [smem:$0x3FFB];
	_ =	sdelay $0x3  }
0x94: {  	_ =	strace s5  }
0x95: {  	s5 =	sld [smem:$0x3FFC];
	_ =	sdelay $0x3  }
0x96: {  	_ =	strace s5  }
0x97: {  	s5 =	sld [smem:$0x3FFD];
	_ =	sdelay $0x3  }
0x98: {  	_ =	strace s5  }
0x99: {  	_ =	strace $0x8FFFFFFF  }
0x9a: {  	s20 =	sld [smem:$0x3FDB];
	_ =	sdelay $0x1  }
0x9b: {  	s6 =	simm.s32 $_scs_section_size  }
0x9c: {  	s7 =	simm.s32 $_size__tile_overlayer_lowered;
	s8 =	simm.s32 $_tile_overlayer_lowered  }
0x9d: {  	s23 =	simm.s32 $0x1BFF;
	s22 =	sshll.u32 s8, $0x1;
	s5 =	sadd.s32 s6, s20  }
0x9e: {  	s9 =	simm.s32 $0x0;
	s21 =	sshll.u32 s7, $0x1;
	s7 =	sadd.s32 s22, s5  }
0x9f: {  	[timem:s9], [sflag:s23] =	dma.local [hbm:s7], s21  }
0xa0: {  	_ =	swait.ge [sflag:s23], s21  }
0xa1: {  	s6 =	ssub.s32 $0x0, s21;
	[sflag:s23] =	ssyncset.done $0x0  }
0xa2: {  	[sflag:s23] =	ssyncadd.s32 s6;
	_ =	sdelay $0x1  }
0xa3: {  	s24 =	simm.s32 $0x1B8B  }
0xa4: {  	_ =	swait.ge [sflag:s24], $0x1  }
0xa5: {  	[sflag:s24] =	ssyncset.done $0x0  }
0xa6: {  	s25 =	simm.s32 $0x1B8E;
	[sflag:s24] =	ssyncadd.s32 $0xFFFFFFFF  }
0xa7: {  	s26 =	simm.s32 $execute0_lowered;
	[smem:$0x3FD2] =	sst s25  }
0xa8: {  	s6 =	sshll.u32 s26, $0x1;
	_ =	strace $0x80000046;
	[dreg:$0x1] =	wrdreg $0xFFFFFFFF  }
0xa9: {  	s28 =	simm.s32 $_size_execute0_lowered;
	s5 =	sadd.s32 s5, s6;
	[dreg:$0x0] =	wrdreg $0x0  }
0xaa: {  	s6 =	sshll.u32 s28, $0x1;
	[dreg:$0x2] =	wrdreg s5  }
0xab: {  	[dreg:$0x3] =	wrdreg s6  }
0xac: {  	[dreg:$0x4] =	wrdreg $0xC0  }
0xad: {  	_ =	task [dreg:s9], $0x5FFFF  }
0xae: {  	[dreg:$0x1] =	wrdreg $0xFFFFFFFF  }
0xaf: {  	[dreg:$0x0] =	wrdreg $0x60  }
0xb0: {  	[dreg:$0x2] =	wrdreg s19  }
0xb1: {  	[dreg:$0x3] =	wrdreg s2  }
0xb2: {  	[dreg:$0x4] =	wrdreg s4  }
0xb3: {  	[dreg:$0x5] =	wrdreg $0x0  }
0xb4: {  	[dreg:$0x6] =	wrdreg $0x9  }
0xb5: {  	_ =	task.clear_ibuf [dreg:s9], $0x7FFFF;
	_ =	strace $0x90000046  }
0xb6: {  	s29 =	simm.s32 $0x9;
	_ =	strace $0x80000048  }
0xb7: {  	_ =	swait.ge [sflag:s29], $0x1  }
0xb8: {  	[sflag:s29] =	ssyncadd.s32 $0xFFFFFFFF  }
0xb9: {  	_ =	strace $0x90000048  }
0xba: {  	_ =	sfence  }
0xbb: {  	s30 =	sld [smem:$0x0];
	_ =	sdelay $0x2  }
0xbc: {  	s31 =	sshll.u32 s1, $0xD;
	s1 =	sshrl.u32 s1, $0x2  }
0xbd: {  	s3 =	sand.u32 $0x4000, s31;
	s1 =	sadd.s32 s1, s30  }
0xbe: {  	s0 =	sor.u32 s3, s0;
	s1 =	sshll.u32 s1, $0x11  }
0xbf: {  	s0 =	sor.u32 s1, s0  }
0xc0: {  	s0 =	sadd.s32 $0x8F2B, s0  }
0xc1: {  	[sflag:s0] =	ssyncadd.remote.s32 $0x1  }
0xc2: {  	_ =	sfence.sel $0xFFFF  }
0xc3: {  	[dreg:$0x0] =	wrdreg $0xFFFFFFFF;
	(pc) =	sbr.abs _section_cstart, $3  }
0xc4: {  	[dreg:$0x1] =	wrdreg $0xFFFFFFFF  }
0xc5: {  	_ =	task.clear_ibuf [dreg:s9], $0x2FFFF;
	_ =	strace $0x9FFFFFFF  }
0xc6: {  	(tm) =	ssettm $0x7FFFFFFF  }
0xc7: {  	_ =	shalt  }
tec
execute0_lowered:
.L_overlay_start_1:
0x0: {  	(tag) =	ssettag $0x1  }
0x1: {  	s6 =	rddreg [dreg:$0x0]  }
0x2: {  	s3 =	rddreg [dreg:$0x1]  }
0x3: {  	s4 =	rddreg [dreg:$0x2];
	s5 =	srdreg.scid  }
0x4: {  	s2 =	rddreg [dreg:$0x3];
	s5 =	sand.u32 $0x1, s5  }
0x5: {  	s0 =	rddreg [dreg:$0x4];
	s8 =	ssub.s32 $0x2, s5  }
0x6: {  	s1 =	simm.s32 $0x0;
	s7 =	stileid.u32;
	s10 =	sshrl.u32 s8, $0x1  }
0x7: {  	s11 =	simm.s32 $0x4C0;
	s12 =	simm.s32 $0x6C0;
	s8 =	ssub.s32 s8, s10  }
0x8: {  	s13 =	simm.s32 $0x540;
	s14 =	simm.s32 $0x740;
	s16 =	smax.u32 s8, $0x1  }
0x9: {  	s15 =	simm.s32 $0x5C0;
	p1 =	por $0x0, $0x0;
	s20 =	sadd.s32 $0xFFFFFFFF, s16  }
0xa: {  	[smem:$0x7FF] =	sst s1;
	s9 =	sshll.u32 s7, $0x7;
	p2 =	sne.s32 s20, $0x0  }
.Ltmp0:
0xb: {  	p0 =	sne.s32 s7, $0x0;
	s7 =	simm.s32 $0x1;
	(pc) =	sbr.rel @!p2 .LBB2_3-.Ltmp0, $4  }
0xc: {  	s5 =	sshll.u32 s5, $0x6;
	_ =	strace $0x80000047;
	s18 =	simm.s32 @!p0 $0x0  }
0xd: {  	s17 =	simm.s32 @!p0 $0x2;
	s5 =	sor.u32 s5, s9;
	s9 =	simm.s32 $0x440  }
0xe: {  	s10 =	sadd.s32 s3, s5;
	s3 =	sadd.s32 s4, s5;
	s4 =	simm.s32 $0x2  }
0xf: {  	s5 =	simm.s32 $0x640;
	s8 =	simm.s32 $0x80;
	s16 =	simm.s32 $0x7C0  }
0x10: {  	s19 =	simm.s32 @!p0 $0x40  }
0x11: {  	[tilespmem:s19], [sflag:$0x2] =	stream.linear.gather @!p0 [hbm4b:s6+s18], $0x3E8, $0x38;
	[tilespmem:$0x840] =	vst v63  }
0x12: {  	_ =	swait.ge @!p0 [sflag:s17], $0x3E8  }
0x13: {  	[sflag:s17] =	ssyncset.done @!p0 $0x0  }
0x14: {  	[sflag:s17] =	ssyncadd.s32 @!p0 $0xFFFFFC18  }
0x15: {  	[spmem:s2] =	stream.linear.scatter @!p0 [tilespmem:s19], [sflag:$0x2], $0x400, $0x38;
	[tilespmem:$0x840] =	vst v63  }
0x16: {  	_ =	swait.ge @!p0 [sflag:s17], $0x400  }
0x17: {  	[sflag:s17] =	ssyncset.done @!p0 $0x0  }
0x18: {  	[sflag:s17] =	ssyncadd.s32 @!p0 $0xFFFFFC00  }
0x19: {  	[tilespmem:s9], [sflag:$0x2] =	stream.linear.gather [hbm4b:s10+s1], $0x200, $0x38;
	[tilespmem:$0x840] =	vst v63  }
0x1a: {  	_ =	swait.ge [sflag:s4], $0x200  }
0x1b: {  	[sflag:s4] =	ssyncset.done $0x0  }
0x1c: {  	[sflag:s4] =	ssyncadd.s32 $0xFFFFFE00  }
0x1d: {  	[bflag:$0x0] =	sbarrier.arrive $0xFFFF  }
0x1e: {  	[tilespmem:s5], [sflag:$0x1] =	stream.indirect.gather [spmem:s2], $0x1, s9, s8, $0xb8;
	[tilespmem:$0x840] =	vst v63  }
0x1f: {  	_ = 	snop  }
0x20: {  	[tilespmem:s12], [sflag:$0x1] =	stream.indirect.gather [spmem:s2], $0x1, s11, s8, $0xb8;
	[tilespmem:$0x840] =	vst v63  }
0x21: {  	_ = 	snop  }
0x22: {  	[tilespmem:s14], [sflag:$0x1] =	stream.indirect.gather [spmem:s2], $0x1, s13, s8, $0xb8;
	[tilespmem:$0x840] =	vst v63  }
0x23: {  	_ = 	snop  }
0x24: {  	[tilespmem:s16], [sflag:$0x1] =	stream.indirect.gather [spmem:s2], $0x1, s15, s8, $0xb8;
	[tilespmem:$0x840] =	vst v63  }
0x25: {  	_ =	swait.ge [sflag:s7], $0x80  }
0x26: {  	[sflag:s7] =	ssyncset.done $0x0  }
0x27: {  	[sflag:s7] =	ssyncadd.s32 $0xFFFFFF80  }
0x28: {  	_ =	swait.ge [sflag:s7], $0x80  }
0x29: {  	[sflag:s7] =	ssyncset.done $0x0  }
0x2a: {  	[sflag:s7] =	ssyncadd.s32 $0xFFFFFF80  }
0x2b: {  	_ =	swait.ge [sflag:s7], $0x80  }
0x2c: {  	[sflag:s7] =	ssyncset.done $0x0  }
0x2d: {  	s20 =	sadd.s32 $0xFFFFFFFF, s20;
	[sflag:s7] =	ssyncadd.s32 $0xFFFFFF80  }
0x2e: {  	p2 =	sne.s32 s20, $0x0;
	_ =	swait.ge [sflag:s7], $0x80  }
.Ltmp1:
0x2f: {  	[sflag:s7] =	ssyncset.done $0x0;
	(pc) =	sbr.rel @!p2 .LBB2_3-.Ltmp1, $4  }
0x30: {  	[sflag:s7] =	ssyncadd.s32 $0xFFFFFF80  }
0x31: {  	[hbm4b:s3+s1] =	stream.linear.scatter [tilespmem:s5], [sflag:$0x2], $0x200, $0x38;
	[tilespmem:$0x840] =	vst v63  }
0x32: {  	_ =	swait.ge [sflag:s4], $0x200  }
0x33: {  	p1 =	por $0x1, $0x1;
	[sflag:s4] =	ssyncset.done $0x0  }
.LBB2_2:
0x34: {  	s21 =	simm.s32 @!p0 $0x0;
	[sflag:s4] =	ssyncadd.s32 $0xFFFFFE00  }
0x35: {  	[tilespmem:s19], [sflag:$0x2] =	stream.linear.gather @!p0 [hbm4b:s6+s18], $0x3E8, $0x38;
	[tilespmem:$0x840] =	vst v63  }
0x36: {  	s20 =	sadd.s32 $0xFFFFFFFF, s20;
	s18 =	smov.u32 s21;
	_ =	swait.ge @!p0 [sflag:s17], $0x3E8  }
0x37: {  	p2 =	sne.s32 s20, $0x0;
	[sflag:s17] =	ssyncset.done @!p0 $0x0  }
0x38: {  	[sflag:s17] =	ssyncadd.s32 @!p0 $0xFFFFFC18  }
0x39: {  	[spmem:s2] =	stream.linear.scatter @!p0 [tilespmem:s19], [sflag:$0x2], $0x400, $0x38;
	[tilespmem:$0x840] =	vst v63  }
0x3a: {  	_ =	swait.ge @!p0 [sflag:s17], $0x400  }
0x3b: {  	[sflag:s17] =	ssyncset.done @!p0 $0x0  }
0x3c: {  	[sflag:s17] =	ssyncadd.s32 @!p0 $0xFFFFFC00  }
0x3d: {  	[tilespmem:s9], [sflag:$0x2] =	stream.linear.gather [hbm4b:s10+s1], $0x200, $0x38;
	[tilespmem:$0x840] =	vst v63  }
0x3e: {  	_ =	swait.ge [sflag:s4], $0x200  }
0x3f: {  	[sflag:s4] =	ssyncset.done $0x0  }
0x40: {  	[sflag:s4] =	ssyncadd.s32 $0xFFFFFE00  }
0x41: {  	[bflag:$0x0] =	sbarrier.arrive $0xFFFF  }
0x42: {  	[tilespmem:s5], [sflag:$0x1] =	stream.indirect.gather [spmem:s2], $0x1, s9, s8, $0xb8;
	[tilespmem:$0x840] =	vst v63  }
0x43: {  	_ = 	snop  }
0x44: {  	[tilespmem:s12], [sflag:$0x1] =	stream.indirect.gather [spmem:s2], $0x1, s11, s8, $0xb8;
	[tilespmem:$0x840] =	vst v63  }
0x45: {  	_ = 	snop  }
0x46: {  	[tilespmem:s14], [sflag:$0x1] =	stream.indirect.gather [spmem:s2], $0x1, s13, s8, $0xb8;
	[tilespmem:$0x840] =	vst v63  }
0x47: {  	_ = 	snop  }
0x48: {  	[tilespmem:s16], [sflag:$0x1] =	stream.indirect.gather [spmem:s2], $0x1, s15, s8, $0xb8;
	[tilespmem:$0x840] =	vst v63  }
0x49: {  	_ =	swait.ge [sflag:s7], $0x80  }
0x4a: {  	[sflag:s7] =	ssyncset.done $0x0  }
0x4b: {  	[sflag:s7] =	ssyncadd.s32 $0xFFFFFF80  }
0x4c: {  	_ =	swait.ge [sflag:s7], $0x80  }
0x4d: {  	[sflag:s7] =	ssyncset.done $0x0  }
0x4e: {  	[sflag:s7] =	ssyncadd.s32 $0xFFFFFF80  }
0x4f: {  	_ =	swait.ge [sflag:s7], $0x80  }
0x50: {  	[sflag:s7] =	ssyncset.done $0x0  }
0x51: {  	[sflag:s7] =	ssyncadd.s32 $0xFFFFFF80  }
0x52: {  	_ =	swait.ge [sflag:s7], $0x80  }
.Ltmp2:
0x53: {  	[sflag:s7] =	ssyncset.done $0x0;
	(pc) =	sbr.rel @p2 .LBB2_2-.Ltmp2, $4  }
0x54: {  	[sflag:s7] =	ssyncadd.s32 $0xFFFFFF80  }
0x55: {  	[hbm4b:s3+s1] =	stream.linear.scatter [tilespmem:s5], [sflag:$0x2], $0x200, $0x38;
	[tilespmem:$0x840] =	vst v63  }
0x56: {  	_ =	swait.ge [sflag:s4], $0x200  }
0x57: {  	[sflag:s4] =	ssyncset.done $0x0  }
.LBB2_3:
0x58: {  	s19 =	simm.s32 @!p0 $0x40;
	[sflag:s4] =	ssyncadd.s32 @p1 $0xFFFFFE00  }
0x59: {  	[tilespmem:s19], [sflag:$0x2] =	stream.linear.gather @!p0 [hbm4b:s6+s18], $0x3E8, $0x38;
	[tilespmem:$0x840] =	vst v63  }
0x5a: {  	_ =	swait.ge @!p0 [sflag:s17], $0x3E8  }
0x5b: {  	[sflag:s17] =	ssyncset.done @!p0 $0x0  }
0x5c: {  	[sflag:s17] =	ssyncadd.s32 @!p0 $0xFFFFFC18  }
0x5d: {  	[spmem:s2] =	stream.linear.scatter @!p0 [tilespmem:s19], [sflag:$0x2], $0x400, $0x38;
	[tilespmem:$0x840] =	vst v63  }
0x5e: {  	_ =	swait.ge @!p0 [sflag:s17], $0x400  }
0x5f: {  	[sflag:s17] =	ssyncset.done @!p0 $0x0  }
0x60: {  	[sflag:s17] =	ssyncadd.s32 @!p0 $0xFFFFFC00  }
0x61: {  	[tilespmem:s9], [sflag:$0x2] =	stream.linear.gather [hbm4b:s10+s1], $0x200, $0x38;
	[tilespmem:$0x840] =	vst v63  }
0x62: {  	_ =	swait.ge [sflag:s4], $0x200  }
0x63: {  	[sflag:s4] =	ssyncset.done $0x0  }
0x64: {  	[sflag:s4] =	ssyncadd.s32 $0xFFFFFE00  }
0x65: {  	[bflag:$0x0] =	sbarrier.arrive $0xFFFF  }
0x66: {  	[tilespmem:s5], [sflag:$0x1] =	stream.indirect.gather [spmem:s2], $0x1, s9, s8, $0xb8;
	[tilespmem:$0x840] =	vst v63  }
0x67: {  	_ = 	snop  }
0x68: {  	[tilespmem:s12], [sflag:$0x1] =	stream.indirect.gather [spmem:s2], $0x1, s11, s8, $0xb8;
	[tilespmem:$0x840] =	vst v63  }
0x69: {  	_ = 	snop  }
0x6a: {  	[tilespmem:s14], [sflag:$0x1] =	stream.indirect.gather [spmem:s2], $0x1, s13, s8, $0xb8;
	[tilespmem:$0x840] =	vst v63  }
0x6b: {  	_ = 	snop  }
0x6c: {  	[tilespmem:s16], [sflag:$0x1] =	stream.indirect.gather [spmem:s2], $0x1, s15, s8, $0xb8;
	[tilespmem:$0x840] =	vst v63  }
0x6d: {  	_ =	swait.ge [sflag:s7], $0x80  }
0x6e: {  	[sflag:s7] =	ssyncset.done $0x0  }
0x6f: {  	[sflag:s7] =	ssyncadd.s32 $0xFFFFFF80  }
0x70: {  	_ =	swait.ge [sflag:s7], $0x80  }
0x71: {  	[sflag:s7] =	ssyncset.done $0x0  }
0x72: {  	[sflag:s7] =	ssyncadd.s32 $0xFFFFFF80  }
0x73: {  	_ =	swait.ge [sflag:s7], $0x80  }
0x74: {  	[sflag:s7] =	ssyncset.done $0x0  }
0x75: {  	[sflag:s7] =	ssyncadd.s32 $0xFFFFFF80  }
0x76: {  	_ =	swait.ge [sflag:s7], $0x80  }
0x77: {  	[sflag:s7] =	ssyncset.done $0x0  }
0x78: {  	[sflag:s7] =	ssyncadd.s32 $0xFFFFFF80  }
0x79: {  	[hbm4b:s3+s1] =	stream.linear.scatter [tilespmem:s5], [sflag:$0x2], $0x200, $0x38;
	[tilespmem:$0x840] =	vst v63  }
0x7a: {  	_ =	swait.ge [sflag:s4], $0x200  }
0x7b: {  	[sflag:s4] =	ssyncset.done $0x0  }
0x7c: {  	[sflag:s4] =	ssyncadd.s32 $0xFFFFFE00  }
0x7d: {  	_ =	sfence.sel $0x180000  }
0x7e: {  	[bflag:$0x0] =	sbarrier.arrive $0xFFFF  }
0x7f: {  	_ =	strace $0x90000047  }
0x80: {  	s0 =	sadd.s32 @!p0 $0x100000, s0;
	[bflag:$0x2] =	sbarrier.arrive $0xFFFF  }
0x81: {  	[sflag:s0] =	ssyncadd.tile.s32 @!p0 $0x1;
	_ =	shalt  }
.Lfunc_end2:
_tile_overlayer_lowered:
.L_overlay_start_2:
0x82: {  	(tag) =	ssettag $0x2  }
0x83: {  	s0 =	rddreg [dreg:$0x0];
	s2 =	stileid.u32  }
0x84: {  	s1 =	rddreg [dreg:$0x1];
	p0 =	sne.s32 s2, $0x0  }
0x85: {  	s3 =	rddreg [dreg:$0x2];
	[bflag:$0x3] =	sbarrier.arrive $0xFFFF;
	s2 =	simm.s32 @!p0 $0x1C02  }
0x86: {  	[timem:s3], [sflag:s2] =	dma.local @!p0 [hbm:s0], s1  }
0x87: {  	s0 =	simm.s32 @!p0 $0x2  }
0x88: {  	_ =	swait.ge @!p0 [sflag:s0], s1  }
0x89: {  	s1 =	ssub.s32 @!p0 $0x0, s1;
	[sflag:s0] =	ssyncset.done @!p0 $0x0  }
0x8a: {  	[sflag:s0] =	ssyncadd.s32 @!p0 s1  }
0x8b: {  	[bflag:$0x3] =	sbarrier.arrive $0xFFFF  }
0x8c: {  	_ =	shalt  }

</sc_bundles>
